<compile_context>
chip_gen: v7x
topology: tpu7x:2x2x1
jax: 0.10.2.dev20260603
libtpu: 0.0.44.dev20260713+nightly
codegen_flags: <defaults>
</compile_context>

<pallas_src>
import functools

import jax
import jax.numpy as jnp
from jax import lax
from jax.experimental import pallas as pl
from jax.experimental.pallas import tpu as pltpu
from jax.experimental.pallas import tpu_sc as plsc

F32 = jnp.float32


def _mv_kernel(w_ref, x_ref, b_ref, o_ref, *, relu):
    x2 = x_ref[...].reshape(1, -1)
    y = lax.dot_general(w_ref[...], x2, (((1,), (1,)), ((), ())),
                        preferred_element_type=F32)
    y = y.reshape(-1) + b_ref[...]
    o_ref[...] = jnp.maximum(y, 0.0) if relu else y


def _matvec(w, x, b, blk, relu=False):
    n, d = w.shape
    return pl.pallas_call(
        functools.partial(_mv_kernel, relu=relu),
        grid=(n // blk,),
        in_specs=[
            pl.BlockSpec((blk, d), lambda i: (i, 0)),
            pl.BlockSpec((d,), lambda i: (0,)),
            pl.BlockSpec((blk,), lambda i: (i,)),
        ],
        out_specs=pl.BlockSpec((blk,), lambda i: (i,)),
        out_shape=jax.ShapeDtypeStruct((n,), F32),
    )(w, x, b)


def _sims_kernel(p_ref, k_ref, o_ref):
    p = p_ref[...]
    kv = k_ref[...].reshape(1, -1)
    dot = lax.dot_general(p, kv, (((1,), (1,)), ((), ())),
                          preferred_element_type=F32)
    sq = jnp.sum(p * p, axis=1)
    nk = jnp.sqrt(jnp.sum(kv * kv))
    denom = jnp.maximum(jnp.sqrt(sq), 1e-12) * jnp.maximum(nk, 1e-12)
    o_ref[...] = dot.reshape(-1) / denom


def _sims(protos, k, blk):
    n, d = protos.shape
    return pl.pallas_call(
        _sims_kernel,
        grid=(n // blk,),
        in_specs=[
            pl.BlockSpec((blk, d), lambda i: (i, 0)),
            pl.BlockSpec((d,), lambda i: (0,)),
        ],
        out_specs=pl.BlockSpec((blk,), lambda i: (i,)),
        out_shape=jax.ShapeDtypeStruct((n,), F32),
    )(protos, k)


def _sc_argmax(sims):
    n = sims.shape[0]
    nw = 32
    per_w = n // nw
    nchunks = per_w // 16
    mesh = plsc.VectorSubcoreMesh(core_axis_name="c", subcore_axis_name="s",
                                  num_cores=2, num_subcores=16)

    @functools.partial(
        pl.kernel,
        out_type=[jax.ShapeDtypeStruct((nw, 16), F32),
                  jax.ShapeDtypeStruct((nw, 16), jnp.int32)],
        mesh=mesh,
        compiler_params=pltpu.CompilerParams(use_tc_tiling_on_sc=False),
        scratch_types=[
            pltpu.VMEM((per_w,), F32),
            pltpu.VMEM((16,), F32),
            pltpu.VMEM((16,), jnp.int32),
        ],
    )
    def body(sims_hbm, best_out, idx_out, sims_v, bv_v, bi_v):
        cid = lax.axis_index("c")
        sid = lax.axis_index("s")
        wid = sid * 2 + cid
        base = wid * per_w
        pltpu.sync_copy(sims_hbm.at[pl.ds(base, per_w)], sims_v)

        def chunk_body(j, carry):
            m, mi = carry
            v = sims_v[pl.ds(j * 16, 16)]
            upd = v > m
            return jnp.where(upd, v, m), jnp.where(upd, j, mi)

        m0 = jnp.full((16,), -3.0e38, F32)
        mi0 = jnp.zeros((16,), jnp.int32)
        m, mi = lax.fori_loop(0, nchunks, chunk_body, (m0, mi0))

        lanes = jnp.arange(16, dtype=jnp.int32)
        gi = base + mi * 16 + lanes
        dn = lax.GatherDimensionNumbers(
            offset_dims=(), collapsed_slice_dims=(0,),
            start_index_map=(0,))

        def permute(v, p):
            return lax.gather(
                v, p[:, None], dn, (1,),
                mode=lax.GatherScatterMode.PROMISE_IN_BOUNDS)

        for shift in (1, 2, 4, 8):
            p = lanes ^ shift
            m2 = permute(m, p)
            gi2 = permute(gi, p)
            upd = (m2 > m) | ((m2 == m) & (gi2 < gi))
            m = jnp.where(upd, m2, m)
            gi = jnp.where(upd, gi2, gi)

        bv_v[...] = m
        bi_v[...] = gi
        pltpu.sync_copy(bv_v, best_out.at[wid])
        pltpu.sync_copy(bi_v, idx_out.at[wid])

    return body(sims)


def _final_kernel(b_ref, i_ref, memt_ref, wpt_ref, bp_ref, pfc_ref,
                  wn_ref, bn_ref, g1_ref, g1b_ref, g2_ref, g2b_ref, td_ref,
                  pfcnew_ref, nm_ref, alpha_ref, alpha_sm, b_v, i_v,
                  tile_v, row_v, sem):
    step = pl.program_id(0)

    @pl.when(step == 0)
    def _():
        cb = pltpu.make_async_copy(b_ref, b_v, sem)
        cb.start()
        cb.wait()
        ci = pltpu.make_async_copy(i_ref, i_v, sem)
        ci.start()
        ci.wait()
        bests = b_v[:, 0:1]
        idxs = i_v[:, 0:1]
        best = jnp.max(bests)
        widx = jnp.min(jnp.where(bests == best, idxs,
                                 jnp.int32(2**31 - 1)))
        start = pl.multiple_of((widx // 128) * 128, 128)
        cp = pltpu.make_async_copy(memt_ref.at[:, pl.ds(start, 128)],
                                   tile_v, sem)
        cp.start()
        td = td_ref[0]
        hg = jnp.tanh(g1_ref[:, 0] * best + g1_ref[:, 1] * td
                      + g1b_ref[...])
        alpha_sm[0] = jnp.tanh(jnp.sum(g2_ref[0, :] * hg) + g2b_ref[0])
        cp.wait()
        lane = widx % 128
        mask = lax.broadcasted_iota(jnp.int32, (1, 128), 1) == lane
        row_v[...] = jnp.sum(jnp.where(mask, tile_v[...], 0.0),
                             axis=1, keepdims=True)

    ro = row_v[...]
    alpha = alpha_sm[0]
    delta = jnp.sum(wpt_ref[...] * ro, axis=0, keepdims=True)
    delta = delta.reshape(-1) + bp_ref[...]
    pfcnew_ref[...] = pfc_ref[...] + alpha * delta

    @pl.when(step == pl.num_programs(0) - 1)
    def _():
        nm = lax.dot_general(wn_ref[...], ro, (((1,), (0,)), ((), ())),
                             preferred_element_type=F32)
        nm = nm.reshape(-1) + bn_ref[...]
        col = lax.iota(jnp.int32, nm.shape[0])
        hi = jnp.where(col < 32, 1.0, 0.5)
        nm_ref[...] = jnp.clip(nm, 0.1, hi)
        alpha_ref[...] = jnp.reshape(alpha, (1,))


def _final(bests, idxs, memt, wpt, bp, pfc, wn, bn,
           g1, g1b, g2, g2b, td, blk):
    d, n = wpt.shape
    nmo = wn.shape[0]
    zero2 = lambda i: (0, 0)
    zero1 = lambda i: (0,)
    return pl.pallas_call(
        _final_kernel,
        grid=(n // blk,),
        in_specs=[
            pl.BlockSpec(memory_space=pltpu.MemorySpace.HBM),
            pl.BlockSpec(memory_space=pltpu.MemorySpace.HBM),
            pl.BlockSpec(memory_space=pltpu.MemorySpace.HBM),
            pl.BlockSpec((d, blk), lambda i: (0, i)),
            pl.BlockSpec((blk,), lambda i: (i,)),
            pl.BlockSpec((blk,), lambda i: (i,)),
            pl.BlockSpec(wn.shape, zero2),
            pl.BlockSpec((nmo,), zero1),
            pl.BlockSpec(g1.shape, zero2),
            pl.BlockSpec((g1.shape[0],), zero1),
            pl.BlockSpec(g2.shape, zero2),
            pl.BlockSpec((1,), zero1),
            pl.BlockSpec((1,), zero1),
        ],
        out_specs=[
            pl.BlockSpec((blk,), lambda i: (i,)),
            pl.BlockSpec((nmo,), zero1),
            pl.BlockSpec((1,), zero1),
        ],
        out_shape=[
            jax.ShapeDtypeStruct((n,), F32),
            jax.ShapeDtypeStruct((nmo,), F32),
            jax.ShapeDtypeStruct((1,), F32),
        ],
        scratch_shapes=[
            pltpu.SMEM((1,), F32),
            pltpu.VMEM(bests.shape, F32),
            pltpu.VMEM(idxs.shape, jnp.int32),
            pltpu.VMEM((d, 128), F32),
            pltpu.VMEM((d, 1), F32),
            pltpu.SemaphoreType.DMA,
        ],
    )(bests, idxs, memt, wpt, bp, pfc, wn, bn,
      g1, g1b, g2, g2b, td)


def kernel(activation_summary, pfc_state, current_td_error, prototypes,
           W1, b1, W2, b2, memory, G1, g1, G2, g2, Wp, bp, Wn, bn):
    x = jnp.concatenate([activation_summary, pfc_state[0]])

    h = _matvec(W1, x, b1, blk=256, relu=True)
    k = _matvec(W2, h, b2, blk=256)
    sims = _sims(prototypes, k, blk=512)

    bests, idxs = _sc_argmax(sims)
    td = jnp.abs(jnp.asarray(current_td_error)).astype(F32).reshape(1)

    pfc_new, nm, alpha = _final(
        bests, idxs, memory.T, Wp.T, bp, pfc_state[0],
        Wn, bn, G1, g1, G2, g2, td, blk=1024)

    return jnp.concatenate([pfc_new, nm, alpha])

# --- scband reference (transcript-rebuilt; emitter-appended) ---
"""Pipeline reference for scband-hippocampus-47665547051395 (READ-ONLY COPY).

The authoritative reference and input builder live on the scoring server;
editing this copy changes nothing except your own understanding.
"""

import jax, jax.numpy as jnp
import numpy as np

KEY_DIM = 4096
PFC_DIM = 2048
N_PATCHES = 16
N_SLOTS = 8192
D_MEM = PFC_DIM + N_PATCHES * 3


def setup_inputs(seed: int = 0) -> dict:
    key = jax.random.key(seed)
    ks = jax.random.split(key, 12)
    inp = {
        "activation_summary": jax.random.normal(ks[0], (KEY_DIM,), dtype=jnp.float32),
        "pfc_state": jax.random.normal(ks[1], (1, PFC_DIM), dtype=jnp.float32),
        "current_td_error": 1,
        "prototypes": jax.random.normal(ks[2], (N_SLOTS, KEY_DIM), dtype=jnp.float32) * 0.1,
        "W1": jax.random.normal(ks[3], (KEY_DIM * 2, KEY_DIM + PFC_DIM), dtype=jnp.float32) * 0.02,
        "b1": jnp.zeros((KEY_DIM * 2,), dtype=jnp.float32),
        "W2": jax.random.normal(ks[4], (KEY_DIM, KEY_DIM * 2), dtype=jnp.float32) * 0.02,
        "b2": jnp.zeros((KEY_DIM,), dtype=jnp.float32),
        "memory": jax.random.normal(ks[5], (N_SLOTS, D_MEM), dtype=jnp.float32) * 0.1,
        "G1": jax.random.normal(ks[6], (16, 3), dtype=jnp.float32) * 0.5,
        "g1": jnp.zeros((16,), dtype=jnp.float32),
        "G2": jax.random.normal(ks[7], (1, 16), dtype=jnp.float32) * 0.5,
        "g2": jnp.full((1,), 0.1, dtype=jnp.float32),
        "Wp": jax.random.normal(ks[8], (PFC_DIM, D_MEM), dtype=jnp.float32) * 0.02,
        "bp": jnp.zeros((PFC_DIM,), dtype=jnp.float32),
        "Wn": jax.random.normal(ks[9], (3 * N_PATCHES, D_MEM), dtype=jnp.float32) * 0.02,
        "bn": jnp.zeros((3 * N_PATCHES,), dtype=jnp.float32),
    }
    return inp


def reference(activation_summary, pfc_state, current_td_error, prototypes, W1, b1, W2, b2, memory, G1, g1, G2, g2, Wp, bp, Wn, bn):
    reward_ema = jnp.float32(0.0)
    pfc = pfc_state[0]
    # _make_key: pattern separation MLP (Linear -> ReLU -> Linear)
    combined = jnp.concatenate([activation_summary, pfc])
    h = jax.nn.relu(W1 @ combined + b1)
    k = W2 @ h + b2
    # _match: cosine similarity vs prototypes, straight-through argmax
    key_norm = k / jnp.maximum(jnp.linalg.norm(k), 1e-12)
    proto_norm = prototypes / jnp.maximum(jnp.linalg.norm(prototypes, axis=-1, keepdims=True), 1e-12)
    sims = proto_norm @ key_norm
    soft = jax.nn.softmax(sims * 10.0)
    idx = jnp.argmax(sims)
    hard = jax.nn.one_hot(idx, sims.shape[0], dtype=sims.dtype)
    one_hot = hard - jax.lax.stop_gradient(soft) + soft
    # reinstate: read matched slot
    read_out = one_hot @ memory
    best_sim = sims[idx]
    gate_in = jnp.stack([best_sim, jnp.abs(current_td_error).astype(jnp.float32), reward_ema])
    alpha = jnp.tanh(G2 @ jnp.tanh(G1 @ gate_in + g1) + g2)[0]
    pfc_delta = Wp @ read_out + bp
    pfc_new = pfc + alpha * pfc_delta
    neuromod_raw = Wn @ read_out + bn
    nm = neuromod_raw.reshape(3, N_PATCHES)
    eta = jnp.clip(nm[0], 0.1, 1.0)
    decay = jnp.clip(nm[1], 0.1, 1.0)
    expl = jnp.clip(nm[2], 0.1, 0.5)
    return jnp.concatenate([pfc_new, eta, decay, expl, alpha[None]])

if __name__ == "__main__":
    import jax
    _d = setup_inputs()
    print(jax.jit(kernel)(*tuple(_d.values())))

</pallas_src>

<mosaic_0001>
#map = affine_map<(d0, d1) -> (0)>
#map1 = affine_map<(d0, d1) -> (0, 0)>
module attributes {stable_mosaic.version = 14 : i64} {
  func.func @body(%arg0: i32, %arg1: i32, %arg2: memref<8192xf32, #tpu.memory_space<hbm>>, %arg3: memref<32x16xf32, #tpu.memory_space<hbm>>, %arg4: memref<32x16xi32, #tpu.memory_space<hbm>>, %arg5: memref<256xf32, #tpu.memory_space<vmem>>, %arg6: memref<16xf32, #tpu.memory_space<vmem>>, %arg7: memref<16xi32, #tpu.memory_space<vmem>>) attributes {dimension_semantics = [#tpu.dimension_semantics<core_parallel>, #tpu.dimension_semantics<subcore_parallel>], iteration_bounds = array<i64: 2, 16>, scalar_prefetch = 0 : i64, scratch_operands = 3 : i64, tpu.core_type = #tpu.core_type<sc_vector_subcore>, window_params = [{transform_indices = #map}, {transform_indices = #map1}, {transform_indices = #map1}]} {
    %mul3A = arith.constant 2 : i32
    %mul3A_0 = arith.muli %arg1, %mul3A : i32
    %add3A = arith.addi %mul3A_0, %arg0 : i32
    %mul3A_1 = arith.constant 256 : i32
    %mul3A_2 = arith.muli %add3A, %mul3A_1 : i32
    "tpu.region"() ({
      %run_scoped3A = tpu.sem_alloc : memref<!tpu.dma_semaphore, #tpu.memory_space<semaphore_mem>>
      %dma_start3A = tpu.memref_slice %arg2[%mul3A_2] : memref<8192xf32, #tpu.memory_space<hbm>> -> memref<256xf32, #tpu.memory_space<hbm>>
      %dma_start3A_80 = tpu.memref_slice %arg2[%mul3A_2] : memref<8192xf32, #tpu.memory_space<hbm>> -> memref<256xf32, #tpu.memory_space<hbm>>
      tpu.enqueue_dma source(%dma_start3A_80 : memref<256xf32, #tpu.memory_space<hbm>>) target(%arg5 : memref<256xf32, #tpu.memory_space<vmem>>) target_semaphore(%run_scoped3A : memref<!tpu.dma_semaphore, #tpu.memory_space<semaphore_mem>>)
      %dma_wait3A = tpu.memref_slice %arg2[%mul3A_2] : memref<8192xf32, #tpu.memory_space<hbm>> -> memref<256xf32, #tpu.memory_space<hbm>>
      %dma_wait3A_81 = tpu.memref_slice %arg2[%mul3A_2] : memref<8192xf32, #tpu.memory_space<hbm>> -> memref<256xf32, #tpu.memory_space<hbm>>
      tpu.wait_dma2 semaphore(%run_scoped3A : memref<!tpu.dma_semaphore, #tpu.memory_space<semaphore_mem>>) src(%dma_wait3A_81 : memref<256xf32, #tpu.memory_space<hbm>>) dst(%arg5 : memref<256xf32, #tpu.memory_space<vmem>>)
      tpu.yield
    }) : () -> ()
    %broadcast_in_dim3A = arith.constant -3.000000e+38 : f32
    %broadcast_in_dim3A_3 = vector.broadcast %broadcast_in_dim3A : f32 to vector<16xf32>
    %broadcast_in_dim3A_4 = arith.constant 0 : i32
    %broadcast_in_dim3A_5 = vector.broadcast %broadcast_in_dim3A_4 : i32 to vector<16xi32>
    %scan3A = arith.constant 0 : i32
    %scan3A_6 = arith.constant 16 : i32
    %scan3A_7 = arith.addi %scan3A, %scan3A_6 : i32
    %scan3A_8 = arith.constant 1 : i32
    %scan3A_9:2 = scf.for %scan3A_80 = %scan3A to %scan3A_7 step %scan3A_8 iter_args(%scan3A_81 = %broadcast_in_dim3A_3, %scan3A_82 = %broadcast_in_dim3A_5) -> (vector<16xf32>, vector<16xi32>)  : i32 {
      %mul3A_83 = arith.constant 16 : i32
      %mul3A_84 = arith.muli %scan3A_80, %mul3A_83 : i32
      %get3A = arith.index_cast %mul3A_84 : i32 to index
      %get3A_85 = tpu.vector_load %arg5[%get3A] {strides = array<i32>} : memref<256xf32, #tpu.memory_space<vmem>>, vector<16xf32>,
      %get3A_86 = vector.shape_cast %get3A_85 : vector<16xf32> to vector<16xf32>
      %gt3A_87 = arith.cmpf ogt, %get3A_86, %scan3A_81 : vector<16xf32>
      %select_n3A_88 = arith.select %gt3A_87, %get3A_86, %scan3A_81 : vector<16xi1>, vector<16xf32>
      %broadcast_in_dim3A_89 = vector.broadcast %scan3A_80 : i32 to vector<16xi32>
      %select_n3A_90 = arith.select %gt3A_87, %broadcast_in_dim3A_89, %scan3A_82 : vector<16xi1>, vector<16xi32>
      scf.yield %select_n3A_88, %select_n3A_90 : vector<16xf32>, vector<16xi32>
    }
    %scan3A_10 = arith.constant 16 : i32
    %iota3A = tpu.iota {dimensions = array<i32: 0>} : vector<16xi32>
    %mul3A_11 = arith.constant 16 : i32
    %mul3A_12 = vector.broadcast %mul3A_11 : i32 to vector<16xi32>
    %mul3A_13 = arith.muli %scan3A_9#1, %mul3A_12 : vector<16xi32>
    %add3A_14 = vector.broadcast %mul3A_2 : i32 to vector<16xi32>
    %add3A_15 = arith.addi %add3A_14, %mul3A_13 : vector<16xi32>
    %add3A_16 = arith.addi %add3A_15, %iota3A : vector<16xi32>
    %xor3A = arith.constant 1 : i32
    %xor3A_17 = vector.broadcast %xor3A : i32 to vector<16xi32>
    %xor3A_18 = arith.xori %iota3A, %xor3A_17 : vector<16xi32>
    %broadcast_in_dim3A_19 = vector.shape_cast %xor3A_18 : vector<16xi32> to vector<16x1xi32>
    %gather3A = vector.shape_cast %broadcast_in_dim3A_19 : vector<16x1xi32> to vector<16xi32>
    %gather3A_20 = tpu.dynamic_gather %scan3A_9#0[%gather3A] in [0] : vector<16xf32>, vector<16xi32> -> vector<16xf32>
    %broadcast_in_dim3A_21 = vector.shape_cast %xor3A_18 : vector<16xi32> to vector<16x1xi32>
    %gather3A_22 = vector.shape_cast %broadcast_in_dim3A_21 : vector<16x1xi32> to vector<16xi32>
    %gather3A_23 = tpu.dynamic_gather %add3A_16[%gather3A_22] in [0] : vector<16xi32>, vector<16xi32> -> vector<16xi32>
    %gt3A = arith.cmpf ogt, %gather3A_20, %scan3A_9#0 : vector<16xf32>
    %eq3A = arith.cmpf oeq, %gather3A_20, %scan3A_9#0 : vector<16xf32>
    %lt3A = arith.cmpi slt, %gather3A_23, %add3A_16 : vector<16xi32>
    %and3A = arith.andi %eq3A, %lt3A : vector<16xi1>
    %or3A = arith.ori %gt3A, %and3A : vector<16xi1>
    %select_n3A = arith.select %or3A, %gather3A_20, %scan3A_9#0 : vector<16xi1>, vector<16xf32>
    %select_n3A_24 = arith.select %or3A, %gather3A_23, %add3A_16 : vector<16xi1>, vector<16xi32>
    %xor3A_25 = arith.constant 2 : i32
    %xor3A_26 = vector.broadcast %xor3A_25 : i32 to vector<16xi32>
    %xor3A_27 = arith.xori %iota3A, %xor3A_26 : vector<16xi32>
    %broadcast_in_dim3A_28 = vector.shape_cast %xor3A_27 : vector<16xi32> to vector<16x1xi32>
    %gather3A_29 = vector.shape_cast %broadcast_in_dim3A_28 : vector<16x1xi32> to vector<16xi32>
    %gather3A_30 = tpu.dynamic_gather %select_n3A[%gather3A_29] in [0] : vector<16xf32>, vector<16xi32> -> vector<16xf32>
    %broadcast_in_dim3A_31 = vector.shape_cast %xor3A_27 : vector<16xi32> to vector<16x1xi32>
    %gather3A_32 = vector.shape_cast %broadcast_in_dim3A_31 : vector<16x1xi32> to vector<16xi32>
    %gather3A_33 = tpu.dynamic_gather %select_n3A_24[%gather3A_32] in [0] : vector<16xi32>, vector<16xi32> -> vector<16xi32>
    %gt3A_34 = arith.cmpf ogt, %gather3A_30, %select_n3A : vector<16xf32>
    %eq3A_35 = arith.cmpf oeq, %gather3A_30, %select_n3A : vector<16xf32>
    %lt3A_36 = arith.cmpi slt, %gather3A_33, %select_n3A_24 : vector<16xi32>
    %and3A_37 = arith.andi %eq3A_35, %lt3A_36 : vector<16xi1>
    %or3A_38 = arith.ori %gt3A_34, %and3A_37 : vector<16xi1>
    %select_n3A_39 = arith.select %or3A_38, %gather3A_30, %select_n3A : vector<16xi1>, vector<16xf32>
    %select_n3A_40 = arith.select %or3A_38, %gather3A_33, %select_n3A_24 : vector<16xi1>, vector<16xi32>
    %xor3A_41 = arith.constant 4 : i32
    %xor3A_42 = vector.broadcast %xor3A_41 : i32 to vector<16xi32>
    %xor3A_43 = arith.xori %iota3A, %xor3A_42 : vector<16xi32>
    %broadcast_in_dim3A_44 = vector.shape_cast %xor3A_43 : vector<16xi32> to vector<16x1xi32>
    %gather3A_45 = vector.shape_cast %broadcast_in_dim3A_44 : vector<16x1xi32> to vector<16xi32>
    %gather3A_46 = tpu.dynamic_gather %select_n3A_39[%gather3A_45] in [0] : vector<16xf32>, vector<16xi32> -> vector<16xf32>
    %broadcast_in_dim3A_47 = vector.shape_cast %xor3A_43 : vector<16xi32> to vector<16x1xi32>
    %gather3A_48 = vector.shape_cast %broadcast_in_dim3A_47 : vector<16x1xi32> to vector<16xi32>
    %gather3A_49 = tpu.dynamic_gather %select_n3A_40[%gather3A_48] in [0] : vector<16xi32>, vector<16xi32> -> vector<16xi32>
    %gt3A_50 = arith.cmpf ogt, %gather3A_46, %select_n3A_39 : vector<16xf32>
    %eq3A_51 = arith.cmpf oeq, %gather3A_46, %select_n3A_39 : vector<16xf32>
    %lt3A_52 = arith.cmpi slt, %gather3A_49, %select_n3A_40 : vector<16xi32>
    %and3A_53 = arith.andi %eq3A_51, %lt3A_52 : vector<16xi1>
    %or3A_54 = arith.ori %gt3A_50, %and3A_53 : vector<16xi1>
    %select_n3A_55 = arith.select %or3A_54, %gather3A_46, %select_n3A_39 : vector<16xi1>, vector<16xf32>
    %select_n3A_56 = arith.select %or3A_54, %gather3A_49, %select_n3A_40 : vector<16xi1>, vector<16xi32>
    %xor3A_57 = arith.constant 8 : i32
    %xor3A_58 = vector.broadcast %xor3A_57 : i32 to vector<16xi32>
    %xor3A_59 = arith.xori %iota3A, %xor3A_58 : vector<16xi32>
    %broadcast_in_dim3A_60 = vector.shape_cast %xor3A_59 : vector<16xi32> to vector<16x1xi32>
    %gather3A_61 = vector.shape_cast %broadcast_in_dim3A_60 : vector<16x1xi32> to vector<16xi32>
    %gather3A_62 = tpu.dynamic_gather %select_n3A_55[%gather3A_61] in [0] : vector<16xf32>, vector<16xi32> -> vector<16xf32>
    %broadcast_in_dim3A_63 = vector.shape_cast %xor3A_59 : vector<16xi32> to vector<16x1xi32>
    %gather3A_64 = vector.shape_cast %broadcast_in_dim3A_63 : vector<16x1xi32> to vector<16xi32>
    %gather3A_65 = tpu.dynamic_gather %select_n3A_56[%gather3A_64] in [0] : vector<16xi32>, vector<16xi32> -> vector<16xi32>
    %gt3A_66 = arith.cmpf ogt, %gather3A_62, %select_n3A_55 : vector<16xf32>
    %eq3A_67 = arith.cmpf oeq, %gather3A_62, %select_n3A_55 : vector<16xf32>
    %lt3A_68 = arith.cmpi slt, %gather3A_65, %select_n3A_56 : vector<16xi32>
    %and3A_69 = arith.andi %eq3A_67, %lt3A_68 : vector<16xi1>
    %or3A_70 = arith.ori %gt3A_66, %and3A_69 : vector<16xi1>
    %select_n3A_71 = arith.select %or3A_70, %gather3A_62, %select_n3A_55 : vector<16xi1>, vector<16xf32>
    %select_n3A_72 = arith.select %or3A_70, %gather3A_65, %select_n3A_56 : vector<16xi1>, vector<16xi32>
    %swap3A = arith.constant 0 : index
    %swap3A_73 = tpu.vector_load %arg6[%swap3A] {strides = array<i32>} : memref<16xf32, #tpu.memory_space<vmem>>, vector<16xf32>,
    %swap3A_74 = vector.shape_cast %swap3A_73 : vector<16xf32> to vector<16xf32>
    %swap3A_75 = vector.shape_cast %select_n3A_71 : vector<16xf32> to vector<16xf32>
    tpu.vector_store %arg6[%swap3A], %swap3A_75 {strides = array<i32>} : memref<16xf32, #tpu.memory_space<vmem>>, vector<16xf32>,
    %swap3A_76 = arith.constant 0 : index
    %swap3A_77 = tpu.vector_load %arg7[%swap3A_76] {strides = array<i32>} : memref<16xi32, #tpu.memory_space<vmem>>, vector<16xi32>,
    %swap3A_78 = vector.shape_cast %swap3A_77 : vector<16xi32> to vector<16xi32>
    %swap3A_79 = vector.shape_cast %select_n3A_72 : vector<16xi32> to vector<16xi32>
    tpu.vector_store %arg7[%swap3A_76], %swap3A_79 {strides = array<i32>} : memref<16xi32, #tpu.memory_space<vmem>>, vector<16xi32>,
    "tpu.region"() ({
      %run_scoped3A = tpu.sem_alloc : memref<!tpu.dma_semaphore, #tpu.memory_space<semaphore_mem>>
      %dma_start3A = arith.constant 0 : i32
      %dma_start3A_80 = tpu.memref_slice %arg3[%add3A, %dma_start3A] : memref<32x16xf32, #tpu.memory_space<hbm>> -> memref<1x16xf32, #tpu.memory_space<hbm>>
      %dma_start3A_81 = tpu.memref_squeeze %dma_start3A_80 : memref<1x16xf32, #tpu.memory_space<hbm>> -> memref<16xf32, #tpu.memory_space<hbm>>
      %dma_start3A_82 = arith.constant 0 : i32
      %dma_start3A_83 = tpu.memref_slice %arg3[%add3A, %dma_start3A_82] : memref<32x16xf32, #tpu.memory_space<hbm>> -> memref<1x16xf32, #tpu.memory_space<hbm>>
      %dma_start3A_84 = tpu.memref_squeeze %dma_start3A_83 : memref<1x16xf32, #tpu.memory_space<hbm>> -> memref<16xf32, #tpu.memory_space<hbm>>
      tpu.enqueue_dma source(%arg6 : memref<16xf32, #tpu.memory_space<vmem>>) target(%dma_start3A_84 : memref<16xf32, #tpu.memory_space<hbm>>) target_semaphore(%run_scoped3A : memref<!tpu.dma_semaphore, #tpu.memory_space<semaphore_mem>>)
      %dma_wait3A = arith.constant 0 : i32
      %dma_wait3A_85 = tpu.memref_slice %arg3[%add3A, %dma_wait3A] : memref<32x16xf32, #tpu.memory_space<hbm>> -> memref<1x16xf32, #tpu.memory_space<hbm>>
      %dma_wait3A_86 = tpu.memref_squeeze %dma_wait3A_85 : memref<1x16xf32, #tpu.memory_space<hbm>> -> memref<16xf32, #tpu.memory_space<hbm>>
      %dma_wait3A_87 = arith.constant 0 : i32
      %dma_wait3A_88 = tpu.memref_slice %arg3[%add3A, %dma_wait3A_87] : memref<32x16xf32, #tpu.memory_space<hbm>> -> memref<1x16xf32, #tpu.memory_space<hbm>>
      %dma_wait3A_89 = tpu.memref_squeeze %dma_wait3A_88 : memref<1x16xf32, #tpu.memory_space<hbm>> -> memref<16xf32, #tpu.memory_space<hbm>>
      tpu.wait_dma2 semaphore(%run_scoped3A : memref<!tpu.dma_semaphore, #tpu.memory_space<semaphore_mem>>) src(%arg6 : memref<16xf32, #tpu.memory_space<vmem>>) dst(%dma_wait3A_89 : memref<16xf32, #tpu.memory_space<hbm>>)
      tpu.yield
    }) : () -> ()
    "tpu.region"() ({
      %run_scoped3A = tpu.sem_alloc : memref<!tpu.dma_semaphore, #tpu.memory_space<semaphore_mem>>
      %dma_start3A = arith.constant 0 : i32
      %dma_start3A_80 = tpu.memref_slice %arg4[%add3A, %dma_start3A] : memref<32x16xi32, #tpu.memory_space<hbm>> -> memref<1x16xi32, #tpu.memory_space<hbm>>
      %dma_start3A_81 = tpu.memref_squeeze %dma_start3A_80 : memref<1x16xi32, #tpu.memory_space<hbm>> -> memref<16xi32, #tpu.memory_space<hbm>>
      %dma_start3A_82 = arith.constant 0 : i32
      %dma_start3A_83 = tpu.memref_slice %arg4[%add3A, %dma_start3A_82] : memref<32x16xi32, #tpu.memory_space<hbm>> -> memref<1x16xi32, #tpu.memory_space<hbm>>
      %dma_start3A_84 = tpu.memref_squeeze %dma_start3A_83 : memref<1x16xi32, #tpu.memory_space<hbm>> -> memref<16xi32, #tpu.memory_space<hbm>>
      tpu.enqueue_dma source(%arg7 : memref<16xi32, #tpu.memory_space<vmem>>) target(%dma_start3A_84 : memref<16xi32, #tpu.memory_space<hbm>>) target_semaphore(%run_scoped3A : memref<!tpu.dma_semaphore, #tpu.memory_space<semaphore_mem>>)
      %dma_wait3A = arith.constant 0 : i32
      %dma_wait3A_85 = tpu.memref_slice %arg4[%add3A, %dma_wait3A] : memref<32x16xi32, #tpu.memory_space<hbm>> -> memref<1x16xi32, #tpu.memory_space<hbm>>
      %dma_wait3A_86 = tpu.memref_squeeze %dma_wait3A_85 : memref<1x16xi32, #tpu.memory_space<hbm>> -> memref<16xi32, #tpu.memory_space<hbm>>
      %dma_wait3A_87 = arith.constant 0 : i32
      %dma_wait3A_88 = tpu.memref_slice %arg4[%add3A, %dma_wait3A_87] : memref<32x16xi32, #tpu.memory_space<hbm>> -> memref<1x16xi32, #tpu.memory_space<hbm>>
      %dma_wait3A_89 = tpu.memref_squeeze %dma_wait3A_88 : memref<1x16xi32, #tpu.memory_space<hbm>> -> memref<16xi32, #tpu.memory_space<hbm>>
      tpu.wait_dma2 semaphore(%run_scoped3A : memref<!tpu.dma_semaphore, #tpu.memory_space<semaphore_mem>>) src(%arg7 : memref<16xi32, #tpu.memory_space<vmem>>) dst(%dma_wait3A_89 : memref<16xi32, #tpu.memory_space<hbm>>)
      tpu.yield
    }) : () -> ()
    return
  }
}

module attributes {stable_mosaic.version = 14 : i64} {
  func.func @_mv_kernel(%arg0: i32, %arg1: memref<256x8192xf32, #tpu.memory_space<vmem>>, %arg2: memref<8192xf32, #tpu.memory_space<vmem>>, %arg3: memref<256xf32, #tpu.memory_space<vmem>>, %arg4: memref<256xf32, #tpu.memory_space<vmem>>) attributes {dimension_semantics = [#tpu.dimension_semantics<arbitrary>], iteration_bounds = array<i64: 16>, scalar_prefetch = 0 : i64, scratch_operands = 0 : i64, tpu.core_type = #tpu.core_type<tc>, window_params = [{transform_indices = @transform_0, window_bounds = array<i64: 256, 8192>}, {pipeline_mode = #tpu.pipeline_mode<synchronous>, transform_indices = @transform_1, window_bounds = array<i64: 8192>}, {transform_indices = @transform_2, window_bounds = array<i64: 256>}, {transform_indices = @transform_3, window_bounds = array<i64: 256>}]} {
    %get3A = arith.constant 0 : index
    %get3A_0 = vector.load %arg2[%get3A] : memref<8192xf32, #tpu.memory_space<vmem>>, vector<8192xf32>
    %reshape3A = vector.shape_cast %get3A_0 : vector<8192xf32> to vector<1x8192xf32>
    %get3A_1 = arith.constant 0 : index
    %get3A_2 = arith.constant 0 : index
    %get3A_3 = vector.load %arg1[%get3A_1, %get3A_2] : memref<256x8192xf32, #tpu.memory_space<vmem>>, vector<256x8192xf32>
    %dot_general3A = arith.constant dense<0.000000e+00> : vector<256x1xf32>
    %dot_general3A_4 = tpu.matmul %get3A_3, %reshape3A, %dot_general3A {dimension_numbers = #tpu.dot_dimension_numbers<[1], [1], [0], [0], [0, 0, 1, 0], [], []>, transpose_lhs_hint = false} : vector<256x8192xf32>, vector<1x8192xf32>, vector<256x1xf32> -> vector<256x1xf32>
    %reshape3A_5 = vector.shape_cast %dot_general3A_4 : vector<256x1xf32> to vector<256xf32>
    %get3A_6 = arith.constant 0 : index
    %get3A_7 = vector.load %arg3[%get3A_6] : memref<256xf32, #tpu.memory_space<vmem>>, vector<256xf32>
    %add3A = arith.addf %reshape3A_5, %get3A_7 : vector<256xf32>
    %swap3A = arith.constant 0 : index
    %swap3A_8 = vector.load %arg4[%swap3A] : memref<256xf32, #tpu.memory_space<vmem>>, vector<256xf32>
    tpu.vector_store %arg4[%swap3A], %add3A {strides = array<i32>} : memref<256xf32, #tpu.memory_space<vmem>>, vector<256xf32>,
    return
  }
  func.func @transform_0(%arg0: i32) -> (i32, i32) {
    %c0_i32 = arith.constant 0 : i32
    %c0_i32_0 = arith.constant 0 : i32
    return %arg0, %c0_i32 : i32, i32
  }
  func.func @transform_1(%arg0: i32) -> i32 {
    %c0_i32 = arith.constant 0 : i32
    %c0_i32_0 = arith.constant 0 : i32
    return %c0_i32 : i32
  }
  func.func @transform_2(%arg0: i32) -> i32 {
    %c0_i32 = arith.constant 0 : i32
    return %arg0 : i32
  }
  func.func @transform_3(%arg0: i32) -> i32 {
    %c0_i32 = arith.constant 0 : i32
    return %arg0 : i32
  }
}

module attributes {stable_mosaic.version = 14 : i64} {
  func.func @_mv_kernel(%arg0: i32, %arg1: memref<256x6144xf32, #tpu.memory_space<vmem>>, %arg2: memref<6144xf32, #tpu.memory_space<vmem>>, %arg3: memref<256xf32, #tpu.memory_space<vmem>>, %arg4: memref<256xf32, #tpu.memory_space<vmem>>) attributes {dimension_semantics = [#tpu.dimension_semantics<arbitrary>], iteration_bounds = array<i64: 32>, scalar_prefetch = 0 : i64, scratch_operands = 0 : i64, tpu.core_type = #tpu.core_type<tc>, window_params = [{transform_indices = @transform_0, window_bounds = array<i64: 256, 6144>}, {pipeline_mode = #tpu.pipeline_mode<synchronous>, transform_indices = @transform_1, window_bounds = array<i64: 6144>}, {transform_indices = @transform_2, window_bounds = array<i64: 256>}, {transform_indices = @transform_3, window_bounds = array<i64: 256>}]} {
    %get3A = arith.constant 0 : index
    %get3A_0 = vector.load %arg2[%get3A] : memref<6144xf32, #tpu.memory_space<vmem>>, vector<6144xf32>
    %reshape3A = vector.shape_cast %get3A_0 : vector<6144xf32> to vector<1x6144xf32>
    %get3A_1 = arith.constant 0 : index
    %get3A_2 = arith.constant 0 : index
    %get3A_3 = vector.load %arg1[%get3A_1, %get3A_2] : memref<256x6144xf32, #tpu.memory_space<vmem>>, vector<256x6144xf32>
    %dot_general3A = arith.constant dense<0.000000e+00> : vector<256x1xf32>
    %dot_general3A_4 = tpu.matmul %get3A_3, %reshape3A, %dot_general3A {dimension_numbers = #tpu.dot_dimension_numbers<[1], [1], [0], [0], [0, 0, 1, 0], [], []>, transpose_lhs_hint = false} : vector<256x6144xf32>, vector<1x6144xf32>, vector<256x1xf32> -> vector<256x1xf32>
    %reshape3A_5 = vector.shape_cast %dot_general3A_4 : vector<256x1xf32> to vector<256xf32>
    %get3A_6 = arith.constant 0 : index
    %get3A_7 = vector.load %arg3[%get3A_6] : memref<256xf32, #tpu.memory_space<vmem>>, vector<256xf32>
    %add3A = arith.addf %reshape3A_5, %get3A_7 : vector<256xf32>
    %max3A = arith.constant 0.000000e+00 : f32
    %max3A_8 = vector.broadcast %max3A : f32 to vector<256xf32>
    %max3A_9 = arith.maximumf %add3A, %max3A_8 : vector<256xf32>
    %swap3A = arith.constant 0 : index
    %swap3A_10 = vector.load %arg4[%swap3A] : memref<256xf32, #tpu.memory_space<vmem>>, vector<256xf32>
    tpu.vector_store %arg4[%swap3A], %max3A_9 {strides = array<i32>} : memref<256xf32, #tpu.memory_space<vmem>>, vector<256xf32>,
    return
  }
  func.func @transform_0(%arg0: i32) -> (i32, i32) {
    %c0_i32 = arith.constant 0 : i32
    %c0_i32_0 = arith.constant 0 : i32
    return %arg0, %c0_i32 : i32, i32
  }
  func.func @transform_1(%arg0: i32) -> i32 {
    %c0_i32 = arith.constant 0 : i32
    %c0_i32_0 = arith.constant 0 : i32
    return %c0_i32 : i32
  }
  func.func @transform_2(%arg0: i32) -> i32 {
    %c0_i32 = arith.constant 0 : i32
    return %arg0 : i32
  }
  func.func @transform_3(%arg0: i32) -> i32 {
    %c0_i32 = arith.constant 0 : i32
    return %arg0 : i32
  }
}

module attributes {stable_mosaic.version = 14 : i64} {
  func.func @_sims_kernel(%arg0: i32, %arg1: memref<512x4096xf32, #tpu.memory_space<vmem>>, %arg2: memref<4096xf32, #tpu.memory_space<vmem>>, %arg3: memref<512xf32, #tpu.memory_space<vmem>>) attributes {dimension_semantics = [#tpu.dimension_semantics<arbitrary>], iteration_bounds = array<i64: 16>, scalar_prefetch = 0 : i64, scratch_operands = 0 : i64, tpu.core_type = #tpu.core_type<tc>, window_params = [{transform_indices = @transform_0, window_bounds = array<i64: 512, 4096>}, {pipeline_mode = #tpu.pipeline_mode<synchronous>, transform_indices = @transform_1, window_bounds = array<i64: 4096>}, {transform_indices = @transform_2, window_bounds = array<i64: 512>}]} {
    %get3A = arith.constant 0 : index
    %get3A_0 = arith.constant 0 : index
    %get3A_1 = vector.load %arg1[%get3A, %get3A_0] : memref<512x4096xf32, #tpu.memory_space<vmem>>, vector<512x4096xf32>
    %get3A_2 = arith.constant 0 : index
    %get3A_3 = vector.load %arg2[%get3A_2] : memref<4096xf32, #tpu.memory_space<vmem>>, vector<4096xf32>
    %reshape3A = vector.shape_cast %get3A_3 : vector<4096xf32> to vector<1x4096xf32>
    %dot_general3A = arith.constant dense<0.000000e+00> : vector<512x1xf32>
    %dot_general3A_4 = tpu.matmul %get3A_1, %reshape3A, %dot_general3A {dimension_numbers = #tpu.dot_dimension_numbers<[1], [1], [0], [0], [0, 0, 1, 0], [], []>, transpose_lhs_hint = false} : vector<512x4096xf32>, vector<1x4096xf32>, vector<512x1xf32> -> vector<512x1xf32>
    %mul3A = arith.mulf %get3A_1, %get3A_1 : vector<512x4096xf32>
    %reduce_sum3A = arith.constant dense<0.000000e+00> : vector<512xf32>
    %reduce_sum3A_5 = vector.multi_reduction <add>, %mul3A, %reduce_sum3A [1] : vector<512x4096xf32> to vector<512xf32>
    %mul3A_6 = arith.mulf %reshape3A, %reshape3A : vector<1x4096xf32>
    %reduce_sum3A_7 = vector.shape_cast %mul3A_6 : vector<1x4096xf32> to vector<1x1x4096xf32>
    %reduce_sum3A_8 = arith.constant dense<0.000000e+00> : vector<1xf32>
    %reduce_sum3A_9 = vector.multi_reduction <add>, %reduce_sum3A_7, %reduce_sum3A_8 [1, 2] : vector<1x1x4096xf32> to vector<1xf32>
    %reduce_sum3A_10 = vector.shape_cast %reduce_sum3A_9 : vector<1xf32> to vector<1x1x1xf32>
    %reduce_sum3A_11 = vector.extract %reduce_sum3A_10[0, 0, 0] : f32 from vector<1x1x1xf32>
    %sqrt3A = math.sqrt %reduce_sum3A_11 : f32
    %sqrt3A_12 = math.sqrt %reduce_sum3A_5 : vector<512xf32>
    %max3A = arith.constant 9.99999996E-13 : f32
    %max3A_13 = vector.broadcast %max3A : f32 to vector<512xf32>
    %max3A_14 = arith.maximumf %sqrt3A_12, %max3A_13 : vector<512xf32>
    %max3A_15 = arith.constant 9.99999996E-13 : f32
    %max3A_16 = arith.maximumf %sqrt3A, %max3A_15 : f32
    %mul3A_17 = vector.broadcast %max3A_16 : f32 to vector<512xf32>
    %mul3A_18 = arith.mulf %max3A_14, %mul3A_17 : vector<512xf32>
    %reshape3A_19 = vector.shape_cast %dot_general3A_4 : vector<512x1xf32> to vector<512xf32>
    %div3A = arith.divf %reshape3A_19, %mul3A_18 : vector<512xf32>
    %swap3A = arith.constant 0 : index
    %swap3A_20 = vector.load %arg3[%swap3A] : memref<512xf32, #tpu.memory_space<vmem>>, vector<512xf32>
    tpu.vector_store %arg3[%swap3A], %div3A {strides = array<i32>} : memref<512xf32, #tpu.memory_space<vmem>>, vector<512xf32>,
    return
  }
  func.func @transform_0(%arg0: i32) -> (i32, i32) {
    %c0_i32 = arith.constant 0 : i32
    %c0_i32_0 = arith.constant 0 : i32
    return %arg0, %c0_i32 : i32, i32
  }
  func.func @transform_1(%arg0: i32) -> i32 {
    %c0_i32 = arith.constant 0 : i32
    %c0_i32_0 = arith.constant 0 : i32
    return %c0_i32 : i32
  }
  func.func @transform_2(%arg0: i32) -> i32 {
    %c0_i32 = arith.constant 0 : i32
    return %arg0 : i32
  }
}

module attributes {stable_mosaic.version = 14 : i64} {
  func.func @_final_kernel(%arg0: i32, %arg1: memref<32x16xf32, #tpu.memory_space<hbm>>, %arg2: memref<32x16xi32, #tpu.memory_space<hbm>>, %arg3: memref<2096x8192xf32, #tpu.memory_space<hbm>>, %arg4: memref<2096x1024xf32, #tpu.memory_space<vmem>>, %arg5: memref<1024xf32, #tpu.memory_space<vmem>>, %arg6: memref<1024xf32, #tpu.memory_space<vmem>>, %arg7: memref<48x2096xf32, #tpu.memory_space<vmem>>, %arg8: memref<48xf32, #tpu.memory_space<vmem>>, %arg9: memref<16x3xf32, #tpu.memory_space<vmem>>, %arg10: memref<16xf32, #tpu.memory_space<vmem>>, %arg11: memref<1x16xf32, #tpu.memory_space<vmem>>, %arg12: memref<1xf32, #tpu.memory_space<vmem>>, %arg13: memref<1xf32, #tpu.memory_space<vmem>>, %arg14: memref<1024xf32, #tpu.memory_space<vmem>>, %arg15: memref<48xf32, #tpu.memory_space<vmem>>, %arg16: memref<1xf32, #tpu.memory_space<vmem>>, %arg17: memref<1xf32, #tpu.memory_space<smem>>, %arg18: memref<32x16xf32, #tpu.memory_space<vmem>>, %arg19: memref<32x16xi32, #tpu.memory_space<vmem>>, %arg20: memref<2096x128xf32, #tpu.memory_space<vmem>>, %arg21: memref<2096x1xf32, #tpu.memory_space<vmem>>, %arg22: memref<!tpu.dma_semaphore, #tpu.memory_space<semaphore_mem>>) attributes {dimension_semantics = [#tpu.dimension_semantics<arbitrary>], iteration_bounds = array<i64: 2>, scalar_prefetch = 0 : i64, scratch_operands = 6 : i64, tpu.core_type = #tpu.core_type<tc>, window_params = [{}, {}, {}, {transform_indices = @transform_3, window_bounds = array<i64: 2096, 1024>}, {transform_indices = @transform_4, window_bounds = array<i64: 1024>}, {transform_indices = @transform_5, window_bounds = array<i64: 1024>}, {pipeline_mode = #tpu.pipeline_mode<synchronous>, transform_indices = @transform_6, window_bounds = array<i64: 48, 2096>}, {pipeline_mode = #tpu.pipeline_mode<synchronous>, transform_indices = @transform_7, window_bounds = array<i64: 48>}, {pipeline_mode = #tpu.pipeline_mode<synchronous>, transform_indices = @transform_8, window_bounds = array<i64: 16, 3>}, {pipeline_mode = #tpu.pipeline_mode<synchronous>, transform_indices = @transform_9, window_bounds = array<i64: 16>}, {pipeline_mode = #tpu.pipeline_mode<synchronous>, transform_indices = @transform_10, window_bounds = array<i64: 1, 16>}, {pipeline_mode = #tpu.pipeline_mode<synchronous>, transform_indices = @transform_11, window_bounds = array<i64: 1>}, {pipeline_mode = #tpu.pipeline_mode<synchronous>, transform_indices = @transform_12, window_bounds = array<i64: 1>}, {transform_indices = @transform_13, window_bounds = array<i64: 1024>}, {pipeline_mode = #tpu.pipeline_mode<synchronous>, transform_indices = @transform_14, window_bounds = array<i64: 48>}, {pipeline_mode = #tpu.pipeline_mode<synchronous>, transform_indices = @transform_15, window_bounds = array<i64: 1>}]} {
    %eq3A = arith.constant 0 : i32
    %eq3A_0 = arith.cmpi eq, %arg0, %eq3A : i32
    %convert_element_type3A = arith.extui %eq3A_0 : i1 to i32
    %cond3A = arith.constant 0 : i32
    %cond3A_1 = arith.cmpi ne, %convert_element_type3A, %cond3A : i32
    scf.if %cond3A_1 {
      tpu.enqueue_dma source(%arg1 : memref<32x16xf32, #tpu.memory_space<hbm>>) target(%arg18 : memref<32x16xf32, #tpu.memory_space<vmem>>) target_semaphore(%arg22 : memref<!tpu.dma_semaphore, #tpu.memory_space<semaphore_mem>>)
      tpu.wait_dma2 semaphore(%arg22 : memref<!tpu.dma_semaphore, #tpu.memory_space<semaphore_mem>>) src(%arg1 : memref<32x16xf32, #tpu.memory_space<hbm>>) dst(%arg18 : memref<32x16xf32, #tpu.memory_space<vmem>>)
      tpu.enqueue_dma source(%arg2 : memref<32x16xi32, #tpu.memory_space<hbm>>) target(%arg19 : memref<32x16xi32, #tpu.memory_space<vmem>>) target_semaphore(%arg22 : memref<!tpu.dma_semaphore, #tpu.memory_space<semaphore_mem>>)
      tpu.wait_dma2 semaphore(%arg22 : memref<!tpu.dma_semaphore, #tpu.memory_space<semaphore_mem>>) src(%arg2 : memref<32x16xi32, #tpu.memory_space<hbm>>) dst(%arg19 : memref<32x16xi32, #tpu.memory_space<vmem>>)
      %get3A_24 = arith.constant 0 : index
      %get3A_25 = arith.constant 0 : index
      %get3A_26 = vector.load %arg18[%get3A_24, %get3A_25] : memref<32x16xf32, #tpu.memory_space<vmem>>, vector<32x1xf32>
      %get3A_27 = arith.constant 0 : index
      %get3A_28 = arith.constant 0 : index
      %get3A_29 = vector.load %arg19[%get3A_27, %get3A_28] : memref<32x16xi32, #tpu.memory_space<vmem>>, vector<32x1xi32>
      %reduce_max3A = vector.shape_cast %get3A_26 : vector<32x1xf32> to vector<1x32x1xf32>
      %reduce_max3A_30 = arith.constant dense<0xFF800000> : vector<1xf32>
      %reduce_max3A_31 = vector.multi_reduction <maximumf>, %reduce_max3A, %reduce_max3A_30 [1, 2] : vector<1x32x1xf32> to vector<1xf32>
      %reduce_max3A_32 = vector.shape_cast %reduce_max3A_31 : vector<1xf32> to vector<1x1x1xf32>
      %reduce_max3A_33 = vector.extract %reduce_max3A_32[0, 0, 0] : f32 from vector<1x1x1xf32>
      %eq3A_34 = vector.broadcast %reduce_max3A_33 : f32 to vector<32x1xf32>
      %eq3A_35 = arith.cmpf oeq, %get3A_26, %eq3A_34 : vector<32x1xf32>
      %jit3A = arith.constant 2147483647 : i32
      %broadcast_in_dim3A_36 = vector.broadcast %jit3A : i32 to vector<32x1xi32>
      %select_n3A = arith.select %eq3A_35, %get3A_29, %broadcast_in_dim3A_36 : vector<32x1xi1>, vector<32x1xi32>
      %reduce_min3A = vector.shape_cast %select_n3A : vector<32x1xi32> to vector<1x32x1xi32>
      %reduce_min3A_37 = arith.constant dense<2147483647> : vector<1xi32>
      %reduce_min3A_38 = vector.multi_reduction <minsi>, %reduce_min3A, %reduce_min3A_37 [1, 2] : vector<1x32x1xi32> to vector<1xi32>
      %reduce_min3A_39 = vector.shape_cast %reduce_min3A_38 : vector<1xi32> to vector<1x1x1xi32>
      %reduce_min3A_40 = vector.extract %reduce_min3A_39[0, 0, 0] : i32 from vector<1x1x1xi32>
      %jit3A_41 = arith.constant 128 : i32
      %div3A = arith.divsi %reduce_min3A_40, %jit3A_41 : i32
      %sign3A = arith.constant 0 : i32
      %sign3A_42 = arith.cmpi sgt, %reduce_min3A_40, %sign3A : i32
      %sign3A_43 = arith.extui %sign3A_42 : i1 to i32
      %sign3A_44 = arith.constant 0 : i32
      %sign3A_45 = arith.cmpi slt, %reduce_min3A_40, %sign3A_44 : i32
      %sign3A_46 = arith.extui %sign3A_45 : i1 to i32
      %sign3A_47 = arith.subi %sign3A_43, %sign3A_46 : i32
      %sign3A_48 = arith.constant 0 : i32
      %sign3A_49 = arith.cmpi sgt, %jit3A_41, %sign3A_48 : i32
      %sign3A_50 = arith.extui %sign3A_49 : i1 to i32
      %sign3A_51 = arith.constant 0 : i32
      %sign3A_52 = arith.cmpi slt, %jit3A_41, %sign3A_51 : i32
      %sign3A_53 = arith.extui %sign3A_52 : i1 to i32
      %sign3A_54 = arith.subi %sign3A_50, %sign3A_53 : i32
      %ne3A = arith.cmpi ne, %sign3A_47, %sign3A_54 : i32
      %rem3A = arith.remsi %reduce_min3A_40, %jit3A_41 : i32
      %ne3A_55 = arith.constant 0 : i32
      %ne3A_56 = arith.cmpi ne, %rem3A, %ne3A_55 : i32
      %and3A = arith.andi %ne3A, %ne3A_56 : i1
      %sub3A = arith.constant 1 : i32
      %sub3A_57 = arith.subi %div3A, %sub3A : i32
      %select_n3A_58 = arith.select %and3A, %sub3A_57, %div3A : i32
      %mul3A_59 = arith.constant 128 : i32
      %mul3A_60 = arith.muli %select_n3A_58, %mul3A_59 : i32
      %multiple_of3A = tpu.assume_multiple %mul3A_60, 128 : i32
      %dma_start3A = arith.constant 0 : i32
      %dma_start3A_61 = tpu.memref_slice %arg3[%dma_start3A, %multiple_of3A] : memref<2096x8192xf32, #tpu.memory_space<hbm>> -> memref<2096x128xf32, #tpu.memory_space<hbm>>
      tpu.enqueue_dma source(%dma_start3A_61 : memref<2096x128xf32, #tpu.memory_space<hbm>>) target(%arg20 : memref<2096x128xf32, #tpu.memory_space<vmem>>) target_semaphore(%arg22 : memref<!tpu.dma_semaphore, #tpu.memory_space<semaphore_mem>>)
      %get3A_62 = arith.constant 0 : index
      %get3A_63 = vector.load %arg13[%get3A_62] : memref<1xf32, #tpu.memory_space<vmem>>, vector<1xf32>
      %get3A_64 = vector.extract %get3A_63[0] : f32 from vector<1xf32>
      %get3A_65 = arith.constant 0 : index
      %get3A_66 = arith.constant 0 : index
      %get3A_67 = vector.load %arg9[%get3A_65, %get3A_66] : memref<16x3xf32, #tpu.memory_space<vmem>>, vector<16x1xf32>
      %get3A_68 = vector.shape_cast %get3A_67 : vector<16x1xf32> to vector<16xf32>
      %mul3A_69 = vector.broadcast %reduce_max3A_33 : f32 to vector<16xf32>
      %mul3A_70 = arith.mulf %get3A_68, %mul3A_69 : vector<16xf32>
      %get3A_71 = arith.constant 0 : index
      %get3A_72 = arith.constant 1 : index
      %get3A_73 = vector.load %arg9[%get3A_71, %get3A_72] : memref<16x3xf32, #tpu.memory_space<vmem>>, vector<16x1xf32>
      %get3A_74 = vector.shape_cast %get3A_73 : vector<16x1xf32> to vector<16xf32>
      %mul3A_75 = vector.broadcast %get3A_64 : f32 to vector<16xf32>
      %mul3A_76 = arith.mulf %get3A_74, %mul3A_75 : vector<16xf32>
      %add3A_77 = arith.addf %mul3A_70, %mul3A_76 : vector<16xf32>
      %get3A_78 = arith.constant 0 : index
      %get3A_79 = vector.load %arg10[%get3A_78] : memref<16xf32, #tpu.memory_space<vmem>>, vector<16xf32>
      %add3A_80 = arith.addf %add3A_77, %get3A_79 : vector<16xf32>
      %tanh3A = math.tanh %add3A_80 : vector<16xf32>
      %get3A_81 = arith.constant 0 : index
      %get3A_82 = arith.constant 0 : index
      %get3A_83 = vector.load %arg11[%get3A_81, %get3A_82] : memref<1x16xf32, #tpu.memory_space<vmem>>, vector<1x16xf32>
      %get3A_84 = vector.shape_cast %get3A_83 : vector<1x16xf32> to vector<16xf32>
      %mul3A_85 = arith.mulf %get3A_84, %tanh3A : vector<16xf32>
      %reduce_sum3A_86 = vector.shape_cast %mul3A_85 : vector<16xf32> to vector<1x16xf32>
      %reduce_sum3A_87 = arith.constant dense<0.000000e+00> : vector<1xf32>
      %reduce_sum3A_88 = vector.multi_reduction <add>, %reduce_sum3A_86, %reduce_sum3A_87 [1] : vector<1x16xf32> to vector<1xf32>
      %reduce_sum3A_89 = vector.shape_cast %reduce_sum3A_88 : vector<1xf32> to vector<1x1xf32>
      %reduce_sum3A_90 = vector.extract %reduce_sum3A_89[0, 0] : f32 from vector<1x1xf32>
      %get3A_91 = arith.constant 0 : index
      %get3A_92 = vector.load %arg12[%get3A_91] : memref<1xf32, #tpu.memory_space<vmem>>, vector<1xf32>
      %get3A_93 = vector.extract %get3A_92[0] : f32 from vector<1xf32>
      %add3A_94 = arith.addf %reduce_sum3A_90, %get3A_93 : f32
      %tanh3A_95 = math.tanh %add3A_94 : f32
      %swap3A_96 = arith.constant 0 : index
      %swap3A_97 = memref.load %arg17[%swap3A_96] : memref<1xf32, #tpu.memory_space<smem>>
      memref.store %tanh3A_95, %arg17[%swap3A_96] : memref<1xf32, #tpu.memory_space<smem>>
      %dma_wait3A = arith.constant 0 : i32
      %dma_wait3A_98 = tpu.memref_slice %arg3[%dma_wait3A, %multiple_of3A] : memref<2096x8192xf32, #tpu.memory_space<hbm>> -> memref<2096x128xf32, #tpu.memory_space<hbm>>
      tpu.wait_dma2 semaphore(%arg22 : memref<!tpu.dma_semaphore, #tpu.memory_space<semaphore_mem>>) src(%dma_wait3A_98 : memref<2096x128xf32, #tpu.memory_space<hbm>>) dst(%arg20 : memref<2096x128xf32, #tpu.memory_space<vmem>>)
      %jit3A_99 = arith.constant 128 : i32
      %eq3A_100 = arith.constant 0 : i32
      %eq3A_101 = arith.cmpi eq, %jit3A_99, %eq3A_100 : i32
      %jit3A_102 = arith.constant 1 : i32
      %select_n3A_103 = arith.select %eq3A_101, %jit3A_102, %jit3A_99 : i32
      %rem3A_104 = arith.remsi %reduce_min3A_40, %select_n3A_103 : i32
      %ne3A_105 = arith.constant 0 : i32
      %ne3A_106 = arith.cmpi ne, %rem3A_104, %ne3A_105 : i32
      %lt3A = arith.constant 0 : i32
      %lt3A_107 = arith.cmpi slt, %rem3A_104, %lt3A : i32
      %lt3A_108 = arith.constant 0 : i32
      %lt3A_109 = arith.cmpi slt, %select_n3A_103, %lt3A_108 : i32
      %ne3A_110 = arith.xori %lt3A_107, %lt3A_109 : i1
      %and3A_111 = arith.andi %ne3A_110, %ne3A_106 : i1
      %add3A_112 = arith.addi %rem3A_104, %select_n3A_103 : i32
      %select_n3A_113 = arith.select %and3A_111, %add3A_112, %rem3A_104 : i32
      %iota3A = tpu.iota {dimensions = array<i32: 1>} : vector<1x128xi32>
      %eq3A_114 = vector.broadcast %select_n3A_113 : i32 to vector<1x128xi32>
      %eq3A_115 = arith.cmpi eq, %iota3A, %eq3A_114 : vector<1x128xi32>
      %get3A_116 = arith.constant 0 : index
      %get3A_117 = arith.constant 0 : index
      %get3A_118 = vector.load %arg20[%get3A_116, %get3A_117] : memref<2096x128xf32, #tpu.memory_space<vmem>>, vector<2096x128xf32>
      %jit3A_119 = arith.constant 0.000000e+00 : f32
      %broadcast_in_dim3A_120 = vector.shape_cast %eq3A_115 : vector<1x128xi1> to vector<1x128xi1>
      %broadcast_in_dim3A_121 = vector.broadcast %broadcast_in_dim3A_120 : vector<1x128xi1> to vector<2096x128xi1>
      %broadcast_in_dim3A_122 = vector.broadcast %jit3A_119 : f32 to vector<2096x128xf32>
      %select_n3A_123 = arith.select %broadcast_in_dim3A_121, %get3A_118, %broadcast_in_dim3A_122 : vector<2096x128xi1>, vector<2096x128xf32>
      %reduce_sum3A_124 = arith.constant dense<0.000000e+00> : vector<2096xf32>
      %reduce_sum3A_125 = vector.multi_reduction <add>, %select_n3A_123, %reduce_sum3A_124 [1] : vector<2096x128xf32> to vector<2096xf32>
      %broadcast_in_dim3A_126 = vector.shape_cast %reduce_sum3A_125 : vector<2096xf32> to vector<2096x1xf32>
      %swap3A_127 = arith.constant 0 : index
      %swap3A_128 = arith.constant 0 : index
      %swap3A_129 = vector.load %arg21[%swap3A_127, %swap3A_128] : memref<2096x1xf32, #tpu.memory_space<vmem>>, vector<2096x1xf32>
      tpu.vector_store %arg21[%swap3A_127, %swap3A_128], %broadcast_in_dim3A_126 {strides = array<i32>} : memref<2096x1xf32, #tpu.memory_space<vmem>>, vector<2096x1xf32>,
    } else {
    }
    %get3A = arith.constant 0 : index
    %get3A_2 = arith.constant 0 : index
    %get3A_3 = vector.load %arg21[%get3A, %get3A_2] : memref<2096x1xf32, #tpu.memory_space<vmem>>, vector<2096x1xf32>
    %get3A_4 = arith.constant 0 : index
    %get3A_5 = memref.load %arg17[%get3A_4] : memref<1xf32, #tpu.memory_space<smem>>
    %get3A_6 = arith.constant 0 : index
    %get3A_7 = arith.constant 0 : index
    %get3A_8 = vector.load %arg4[%get3A_6, %get3A_7] : memref<2096x1024xf32, #tpu.memory_space<vmem>>, vector<2096x1024xf32>
    %mul3A = vector.broadcast %get3A_3 : vector<2096x1xf32> to vector<2096x1024xf32>
    %mul3A_9 = arith.mulf %get3A_8, %mul3A : vector<2096x1024xf32>
    %reduce_sum3A = arith.constant dense<0.000000e+00> : vector<1024xf32>
    %reduce_sum3A_10 = vector.multi_reduction <add>, %mul3A_9, %reduce_sum3A [0] : vector<2096x1024xf32> to vector<1024xf32>
    %broadcast_in_dim3A = vector.shape_cast %reduce_sum3A_10 : vector<1024xf32> to vector<1x1024xf32>
    %reshape3A = vector.shape_cast %broadcast_in_dim3A : vector<1x1024xf32> to vector<1024xf32>
    %get3A_11 = arith.constant 0 : index
    %get3A_12 = vector.load %arg5[%get3A_11] : memref<1024xf32, #tpu.memory_space<vmem>>, vector<1024xf32>
    %add3A = arith.addf %reshape3A, %get3A_12 : vector<1024xf32>
    %get3A_13 = arith.constant 0 : index
    %get3A_14 = vector.load %arg6[%get3A_13] : memref<1024xf32, #tpu.memory_space<vmem>>, vector<1024xf32>
    %mul3A_15 = vector.broadcast %get3A_5 : f32 to vector<1024xf32>
    %mul3A_16 = arith.mulf %mul3A_15, %add3A : vector<1024xf32>
    %add3A_17 = arith.addf %get3A_14, %mul3A_16 : vector<1024xf32>
    %swap3A = arith.constant 0 : index
    %swap3A_18 = vector.load %arg14[%swap3A] : memref<1024xf32, #tpu.memory_space<vmem>>, vector<1024xf32>
    tpu.vector_store %arg14[%swap3A], %add3A_17 {strides = array<i32>} : memref<1024xf32, #tpu.memory_space<vmem>>, vector<1024xf32>,
    %eq3A_19 = arith.constant 1 : i32
    %eq3A_20 = arith.cmpi eq, %arg0, %eq3A_19 : i32
    %convert_element_type3A_21 = arith.extui %eq3A_20 : i1 to i32
    %cond3A_22 = arith.constant 0 : i32
    %cond3A_23 = arith.cmpi ne, %convert_element_type3A_21, %cond3A_22 : i32
    scf.if %cond3A_23 {
      %get3A_24 = arith.constant 0 : index
      %get3A_25 = arith.constant 0 : index
      %get3A_26 = vector.load %arg7[%get3A_24, %get3A_25] : memref<48x2096xf32, #tpu.memory_space<vmem>>, vector<48x2096xf32>
      %dot_general3A = arith.constant dense<0.000000e+00> : vector<48x1xf32>
      %dot_general3A_27 = tpu.matmul %get3A_26, %get3A_3, %dot_general3A {dimension_numbers = #tpu.dot_dimension_numbers<[1], [0], [0], [1], [0, 0, 1, 1], [], []>, transpose_lhs_hint = false} : vector<48x2096xf32>, vector<2096x1xf32>, vector<48x1xf32> -> vector<48x1xf32>
      %reshape3A_28 = vector.shape_cast %dot_general3A_27 : vector<48x1xf32> to vector<48xf32>
      %get3A_29 = arith.constant 0 : index
      %get3A_30 = vector.load %arg8[%get3A_29] : memref<48xf32, #tpu.memory_space<vmem>>, vector<48xf32>
      %add3A_31 = arith.addf %reshape3A_28, %get3A_30 : vector<48xf32>
      %iota3A = tpu.iota {dimensions = array<i32: 1>} : vector<1x48xi32>
      %iota3A_32 = vector.shape_cast %iota3A : vector<1x48xi32> to vector<48xi32>
      %lt3A = arith.constant 32 : i32
      %lt3A_33 = vector.broadcast %lt3A : i32 to vector<48xi32>
      %lt3A_34 = arith.cmpi slt, %iota3A_32, %lt3A_33 : vector<48xi32>
      %jit3A = arith.constant 1.000000e+00 : f32
      %jit3A_35 = arith.constant 5.000000e-01 : f32
      %broadcast_in_dim3A_36 = vector.broadcast %jit3A : f32 to vector<48xf32>
      %broadcast_in_dim3A_37 = vector.broadcast %jit3A_35 : f32 to vector<48xf32>
      %select_n3A = arith.select %lt3A_34, %broadcast_in_dim3A_36, %broadcast_in_dim3A_37 : vector<48xi1>, vector<48xf32>
      %jit3A_38 = arith.constant 1.000000e-01 : f32
      %max3A = vector.broadcast %jit3A_38 : f32 to vector<48xf32>
      %max3A_39 = arith.maximumf %max3A, %add3A_31 : vector<48xf32>
      %min3A = arith.minimumf %select_n3A, %max3A_39 : vector<48xf32>
      %swap3A_40 = arith.constant 0 : index
      %swap3A_41 = vector.load %arg15[%swap3A_40] : memref<48xf32, #tpu.memory_space<vmem>>, vector<48xf32>
      tpu.vector_store %arg15[%swap3A_40], %min3A {strides = array<i32>} : memref<48xf32, #tpu.memory_space<vmem>>, vector<48xf32>,
      %reshape3A_42 = vector.broadcast %get3A_5 : f32 to vector<1xf32>
      %swap3A_43 = arith.constant 0 : index
      %swap3A_44 = vector.load %arg16[%swap3A_43] : memref<1xf32, #tpu.memory_space<vmem>>, vector<1xf32>
      tpu.vector_store %arg16[%swap3A_43], %reshape3A_42 {strides = array<i32>} : memref<1xf32, #tpu.memory_space<vmem>>, vector<1xf32>,
    } else {
    }
    return
  }
  func.func @transform_3(%arg0: i32) -> (i32, i32) {
    %c0_i32 = arith.constant 0 : i32
    %c0_i32_0 = arith.constant 0 : i32
    return %c0_i32, %arg0 : i32, i32
  }
  func.func @transform_4(%arg0: i32) -> i32 {
    %c0_i32 = arith.constant 0 : i32
    return %arg0 : i32
  }
  func.func @transform_5(%arg0: i32) -> i32 {
    %c0_i32 = arith.constant 0 : i32
    return %arg0 : i32
  }
  func.func @transform_6(%arg0: i32) -> (i32, i32) {
    %c0_i32 = arith.constant 0 : i32
    %c0_i32_0 = arith.constant 0 : i32
    %c0_i32_1 = arith.constant 0 : i32
    return %c0_i32, %c0_i32_0 : i32, i32
  }
  func.func @transform_7(%arg0: i32) -> i32 {
    %c0_i32 = arith.constant 0 : i32
    %c0_i32_0 = arith.constant 0 : i32
    return %c0_i32 : i32
  }
  func.func @transform_8(%arg0: i32) -> (i32, i32) {
    %c0_i32 = arith.constant 0 : i32
    %c0_i32_0 = arith.constant 0 : i32
    %c0_i32_1 = arith.constant 0 : i32
    return %c0_i32, %c0_i32_0 : i32, i32
  }
  func.func @transform_9(%arg0: i32) -> i32 {
    %c0_i32 = arith.constant 0 : i32
    %c0_i32_0 = arith.constant 0 : i32
    return %c0_i32 : i32
  }
  func.func @transform_10(%arg0: i32) -> (i32, i32) {
    %c0_i32 = arith.constant 0 : i32
    %c0_i32_0 = arith.constant 0 : i32
    %c0_i32_1 = arith.constant 0 : i32
    return %c0_i32, %c0_i32_0 : i32, i32
  }
  func.func @transform_11(%arg0: i32) -> i32 {
    %c0_i32 = arith.constant 0 : i32
    %c0_i32_0 = arith.constant 0 : i32
    return %c0_i32 : i32
  }
  func.func @transform_12(%arg0: i32) -> i32 {
    %c0_i32 = arith.constant 0 : i32
    %c0_i32_0 = arith.constant 0 : i32
    return %c0_i32 : i32
  }
  func.func @transform_13(%arg0: i32) -> i32 {
    %c0_i32 = arith.constant 0 : i32
    return %arg0 : i32
  }
  func.func @transform_14(%arg0: i32) -> i32 {
    %c0_i32 = arith.constant 0 : i32
    %c0_i32_0 = arith.constant 0 : i32
    return %c0_i32 : i32
  }
  func.func @transform_15(%arg0: i32) -> i32 {
    %c0_i32 = arith.constant 0 : i32
    %c0_i32_0 = arith.constant 0 : i32
    return %c0_i32 : i32
  }
}

</mosaic_0001>

<sc_bundles>
// kernel: kernel.7.cloned.1.call-start
scs
__scs_entry_jumppad:
0x0: {  	(pc) =	sbr.rel $0x88, $3  }
0x1: {  	(tag) =	ssettag $0x0;
	lr =	simm.s32 $0x1  }
0x2: {  	[smem:$0x3F90] =	sst lr;
	_ =	strace $0xD0000000  }
0x3: {  	_ = 	snop  }
0x4: {  	_ = 	snop  }
0x5: {  	_ = 	snop  }
0x6: {  	_ = 	snop  }
0x7: {  	_ = 	snop  }
__scs_overlays_trampoline_lowered:
0x8: {  	[smem:$0x3F9F] =	sst s0  }
0x9: {  	[smem:$0x3FA0] =	sst s1  }
0xa: {  	[smem:$0x3FA1] =	sst s2  }
0xb: {  	[smem:$0x3FA2] =	sst s3  }
0xc: {  	[smem:$0x3FA3] =	sst s4  }
0xd: {  	[smem:$0x3FA4] =	sst s5  }
0xe: {  	[smem:$0x3FA5] =	sst s6  }
0xf: {  	[smem:$0x3FA6] =	sst s7  }
0x10: {  	[smem:$0x3FA7] =	sst s8  }
0x11: {  	[smem:$0x3FA8] =	sst s9;
	s0 =	simm.s32 @!p0 $0x0  }
0x12: {  	s1 =	sld [smem:$0x3F8E];
	s0 =	simm.s32 @p0 $0x1  }
0x13: {  	[smem:$0x3FA9] =	sst s0;
	s0 =	simm.s32 @!p1 $0x0  }
0x14: {  	s2 =	sld [smem:$0x3F8D];
	s0 =	simm.s32 @p1 $0x1  }
0x15: {  	[smem:$0x3FAA] =	sst s0;
	s0 =	simm.s32 @!p2 $0x0  }
0x16: {  	s3 =	sld [smem:$0x3FDB];
	s0 =	simm.s32 @p2 $0x1  }
0x17: {  	s4 =	simm.s32 $0x1BF5;
	[smem:$0x3FAC] =	sst s0  }
0x18: {  	s0 =	sld [smem:$0x3F8F];
	_ =	swait.ge [sflag:s4], $0x0  }
0x19: {  	s7 =	sld [smem:$0x3F90]  }
0x1a: {  	s8 =	sadd.s32 $0xFFFFE003, lr  }
0x1b: {  	s9 =	sadd.s32 $0xFFFFFEF7, lr;
	s5 =	simm.s32 $0xFFFFFFFF;
	p2 =	slt.u32 s8, $0xFFFFF086  }
0x1c: {  	p1 =	slt.u32 s9, $0xF7A;
	s5 =	simm.s32 @!p2 $0x0  }
0x1d: {  	s5 =	simm.s32 @p1 $0x1;
	p0 =	seq.s32 s7, s2  }
0x1e: {  	s7 =	smul.u32 @!p0 $0xF7A, s2;
	p2 =	seq.s32 @!p0 s5, $0x0  }
0x1f: {  	s9 =	smul.u32 $0xF7A, s1;
	s8 =	simm.s32 @!p0 $0x1BF5;
	p2 =	por !p2, p0  }
0x20: {  	[sflag:s8] =	ssyncset.s32 @!p0 $0xFFFFF086;
	s6 =	sadd.s32 @!p0 s3, s7;
	s7 =	simm.s32 @!p0 $0x108  }
0x21: {  	s3 =	sadd.s32 s3, s9;
	s6 =	sadd.s32 @!p0 $0x88, s6;
	s7 =	simm.s32 @p2 $0x1082  }
0x22: {  	[simem:s7], [sflag:s8] =	dma.local @!p0 [hbm:s6], $0xF7A  }
0x23: {  	s9 =	sor.u32 $0xD0000000, s2;
	s6 =	simm.s32 $0x108;
	_ =	swait.ge @!p0 [sflag:s8], $0x0  }
0x24: {  	s3 =	sadd.s32 $0x88, s3;
	s6 =	simm.s32 @!p1 $0x1082;
	[sflag:s4] =	ssyncset.s32 $0xFFFFF086  }
0x25: {  	[simem:s6], [sflag:s4] =	dma.local [hbm:s3], $0xF7A  }
0x26: {  	[smem:$0x3F90] =	sst s1;
	(tag) =	ssettag s2;
	_ =	strace s9  }
0x27: {  	s1 =	sld [smem:$0x3FA0]  }
0x28: {  	s2 =	sld [smem:$0x3FA1]  }
0x29: {  	s4 =	sld [smem:$0x3FA3]  }
0x2a: {  	p0 =	seq.s32 s5, $0x0;
	s5 =	sld [smem:$0x3FA4]  }
0x2b: {  	s6 =	sld [smem:$0x3FA5]  }
0x2c: {  	s7 =	sld [smem:$0x3FA6]  }
0x2d: {  	s3 =	simm.s32 $0x108;
	s8 =	sld [smem:$0x3FA7]  }
0x2e: {  	s3 =	simm.s32 @!p0 $0x1082;
	s9 =	sld [smem:$0x3FA8]  }
0x2f: {  	lr =	sadd.s32 s0, s3;
	s0 =	sld [smem:$0x3F9F]  }
0x30: {  	s3 =	sld [smem:$0x3FA2]  }
0x31: {  	[smem:$0x3FAB] =	sst s10  }
0x32: {  	s10 =	sld [smem:$0x3FA9];
	_ =	sdelay $0x3  }
0x33: {  	p0 =	seq.s32 s10, $0x1;
	s10 =	sld [smem:$0x3FAB];
	_ =	sdelay $0x3  }
0x34: {  	[smem:$0x3FAB] =	sst s10  }
0x35: {  	s10 =	sld [smem:$0x3FAA];
	_ =	sdelay $0x3  }
0x36: {  	p1 =	seq.s32 s10, $0x1;
	s10 =	sld [smem:$0x3FAB];
	_ =	sdelay $0x3  }
0x37: {  	[smem:$0x3FAB] =	sst s10  }
0x38: {  	s10 =	sld [smem:$0x3FAC]  }
0x39: {  	_ = 	snop;
	(pc) =	sbr.ind lr, $3  }
0x3a: {  	_ = 	snop  }
0x3b: {  	_ = 	snop  }
0x3c: {  	p2 =	seq.s32 s10, $0x1;
	s10 =	sld [smem:$0x3FAB]  }
0x3d: {  	_ =	shalt  }
0x3e: {  	_ =	shalt  }
0x3f: {  	_ =	shalt  }
0x40: {  	_ =	shalt  }
0x41: {  	_ =	shalt  }
0x42: {  	_ =	shalt  }
0x43: {  	_ =	shalt  }
0x44: {  	_ =	shalt  }
0x45: {  	_ =	shalt  }
0x46: {  	_ =	shalt  }
0x47: {  	_ =	shalt  }
0x48: {  	_ =	shalt  }
0x49: {  	_ =	shalt  }
0x4a: {  	_ =	shalt  }
0x4b: {  	_ =	shalt  }
0x4c: {  	_ =	shalt  }
0x4d: {  	_ =	shalt  }
0x4e: {  	_ =	shalt  }
0x4f: {  	_ =	shalt  }
0x50: {  	_ =	shalt  }
0x51: {  	_ =	shalt  }
0x52: {  	_ =	shalt  }
0x53: {  	_ =	shalt  }
0x54: {  	_ =	shalt  }
0x55: {  	_ =	shalt  }
0x56: {  	_ =	shalt  }
0x57: {  	_ =	shalt  }
0x58: {  	_ =	shalt  }
0x59: {  	_ =	shalt  }
0x5a: {  	_ =	shalt  }
0x5b: {  	_ =	shalt  }
0x5c: {  	_ =	shalt  }
0x5d: {  	_ =	shalt  }
0x5e: {  	_ =	shalt  }
0x5f: {  	_ =	shalt  }
0x60: {  	_ =	shalt  }
0x61: {  	_ =	shalt  }
0x62: {  	_ =	shalt  }
0x63: {  	_ =	shalt  }
0x64: {  	_ =	shalt  }
0x65: {  	_ =	shalt  }
0x66: {  	_ =	shalt  }
0x67: {  	_ =	shalt  }
0x68: {  	_ =	shalt  }
0x69: {  	_ =	shalt  }
0x6a: {  	_ =	shalt  }
0x6b: {  	_ =	shalt  }
0x6c: {  	_ =	shalt  }
0x6d: {  	_ =	shalt  }
0x6e: {  	_ =	shalt  }
0x6f: {  	_ =	shalt  }
0x70: {  	_ =	shalt  }
0x71: {  	_ =	shalt  }
0x72: {  	_ =	shalt  }
0x73: {  	_ =	shalt  }
0x74: {  	_ =	shalt  }
0x75: {  	_ =	shalt  }
0x76: {  	_ =	shalt  }
0x77: {  	_ =	shalt  }
0x78: {  	_ =	shalt  }
0x79: {  	_ =	shalt  }
0x7a: {  	_ =	shalt  }
0x7b: {  	_ =	shalt  }
0x7c: {  	_ =	shalt  }
0x7d: {  	_ =	shalt  }
0x7e: {  	_ =	shalt  }
0x7f: {  	_ =	shalt  }
0x80: {  	_ =	shalt  }
0x81: {  	_ =	shalt  }
0x82: {  	_ =	shalt  }
0x83: {  	_ =	shalt  }
0x84: {  	_ =	shalt  }
0x85: {  	_ =	shalt  }
0x86: {  	_ =	shalt  }
0x87: {  	_ =	shalt  }
.Lfunc_end0:
.L_simem_size_0:
called_computation_lowered:
.L_overlay_start_0:
0x88: {  	s2 =	sld [smem:$0x3FD9]  }
0x89: {  	s3 =	sld [smem:$0x3FFE];
	_ =	sdelay $0x1  }
0x8a: {  	s1 =	srdreg.scid  }
0x8b: {  	s0 =	sand.u32 $0x1, s1  }
0x8c: {  	s17 =	sshll.u32 s0, $0xA;
	s2 =	sadd.s32 s3, s2  }
0x8d: {  	s2 =	sadd.s32 s2, s17  }
0x8e: {  	[smem:$0x3FB7] =	sst s2  }
0x8f: {  	_ = 	snop  }
0x90: {  	s2 =	sld [smem:$0x3FD0];
	(tm) =	ssettm $0x1  }
0x91: {  	s18 =	sld [smem:$0x3FFB];
	_ =	sdelay $0x3  }
0x92: {  	_ =	strace s18  }
0x93: {  	s3 =	sld [smem:$0x3FFC];
	_ =	sdelay $0x3  }
0x94: {  	_ =	strace s3  }
0x95: {  	s3 =	sld [smem:$0x3FFD];
	_ =	sdelay $0x3  }
0x96: {  	_ =	strace s3  }
0x97: {  	_ =	strace $0x8FFFFFFF  }
0x98: {  	s19 =	sld [smem:$0x3FDB];
	_ =	sdelay $0x1  }
0x99: {  	s4 =	simm.s32 $_scs_section_size  }
0x9a: {  	s5 =	simm.s32 $_size__tile_overlayer_lowered;
	s6 =	simm.s32 $_tile_overlayer_lowered  }
0x9b: {  	s22 =	simm.s32 $0x1BFF;
	s21 =	sshll.u32 s6, $0x1;
	s3 =	sadd.s32 s4, s19  }
0x9c: {  	s7 =	simm.s32 $0x0;
	s20 =	sshll.u32 s5, $0x1;
	s5 =	sadd.s32 s21, s3  }
0x9d: {  	[timem:s7], [sflag:s22] =	dma.local [hbm:s5], s20  }
0x9e: {  	_ =	swait.ge [sflag:s22], s20  }
0x9f: {  	s4 =	ssub.s32 $0x0, s20;
	[sflag:s22] =	ssyncset.done $0x0  }
0xa0: {  	[sflag:s22] =	ssyncadd.s32 s4;
	_ =	sdelay $0x1  }
0xa1: {  	s23 =	simm.s32 $0x1B8B  }
0xa2: {  	_ =	swait.ge [sflag:s23], $0x1  }
0xa3: {  	[sflag:s23] =	ssyncset.done $0x0  }
0xa4: {  	s25 =	simm.s32 $0x1B8E;
	s24 =	sld [smem:$0x3FFE];
	[sflag:s23] =	ssyncadd.s32 $0xFFFFFFFF  }
0xa5: {  	s26 =	simm.s32 $execute0_lowered;
	[smem:$0x3FD2] =	sst s25  }
0xa6: {  	s5 =	sshll.u32 s26, $0x1;
	_ =	strace $0x80000046;
	[dreg:$0x1] =	wrdreg $0xFFFFFFFF  }
0xa7: {  	s28 =	simm.s32 $_size_execute0_lowered;
	s3 =	sadd.s32 s3, s5;
	[dreg:$0x0] =	wrdreg $0x0  }
0xa8: {  	s5 =	sshll.u32 s28, $0x1;
	[dreg:$0x2] =	wrdreg s3  }
0xa9: {  	[dreg:$0x3] =	wrdreg s5  }
0xaa: {  	[dreg:$0x4] =	wrdreg $0xC0  }
0xab: {  	_ =	task [dreg:s7], $0x5FFFF  }
0xac: {  	[dreg:$0x1] =	wrdreg $0xFFFFFFFF  }
0xad: {  	[dreg:$0x0] =	wrdreg $0x60  }
0xae: {  	[dreg:$0x2] =	wrdreg s24  }
0xaf: {  	[dreg:$0x3] =	wrdreg s2  }
0xb0: {  	[dreg:$0x4] =	wrdreg $0x9  }
0xb1: {  	_ =	task.clear_ibuf [dreg:s7], $0x5FFFF;
	_ =	strace $0x90000046  }
0xb2: {  	s29 =	simm.s32 $0x9;
	_ =	strace $0x80000048  }
0xb3: {  	_ =	swait.ge [sflag:s29], $0x1  }
0xb4: {  	[sflag:s29] =	ssyncadd.s32 $0xFFFFFFFF  }
0xb5: {  	_ =	strace $0x90000048  }
0xb6: {  	_ =	sfence  }
0xb7: {  	s30 =	sld [smem:$0x0];
	_ =	sdelay $0x2  }
0xb8: {  	s31 =	sshll.u32 s1, $0xD;
	s1 =	sshrl.u32 s1, $0x2  }
0xb9: {  	s3 =	sand.u32 $0x4000, s31;
	s1 =	sadd.s32 s1, s30  }
0xba: {  	s0 =	sor.u32 s3, s0;
	s1 =	sshll.u32 s1, $0x11  }
0xbb: {  	s0 =	sor.u32 s1, s0  }
0xbc: {  	s0 =	sadd.s32 $0x8F2B, s0  }
0xbd: {  	[sflag:s0] =	ssyncadd.remote.s32 $0x1  }
0xbe: {  	_ =	sfence.sel $0xFFFF  }
0xbf: {  	[dreg:$0x0] =	wrdreg $0xFFFFFFFF;
	(pc) =	sbr.abs _section_cstart, $3  }
0xc0: {  	[dreg:$0x1] =	wrdreg $0xFFFFFFFF  }
0xc1: {  	_ =	task.clear_ibuf [dreg:s7], $0x2FFFF;
	_ =	strace $0x9FFFFFFF  }
0xc2: {  	(tm) =	ssettm $0x7FFFFFFF  }
0xc3: {  	_ =	shalt  }
tec
execute0_lowered:
.L_overlay_start_1:
0x0: {  	(tag) =	ssettag $0x1  }
0x1: {  	v0 =	vimm.s32 $0xEFCDAB89  }
0x2: {  	v1 =	vimm.s32 $0x67452301;
	v2 =	vimm.s32 $0xDCFE98BA;
	s3 =	rddreg [dreg:$0x0];
	v3 =	vimm.s32 $0x54761032  }
0x3: {  	s4 =	rddreg [dreg:$0x1];
	v4 =	vimm.s32 $0xBA98FEDC;
	v5 =	vimm.s32 $0x32107654;
	v6 =	vimm.s32 $0xFEDCBA98  }
0x4: {  	s0 =	rddreg [dreg:$0x2];
	v7 =	vimm.s32 $0x76543210;
	v0 =	vunpack.c.l.s4.s8 v0;
	v1 =	vunpack.c.l.s4.s8 v1  }
0x5: {  	s2 =	simm.s32 $0x0;
	s5 =	srdreg.scid;
	s1 =	stileid.u32;
	v2 =	vunpack.c.l.s4.s8 v2;
	v3 =	vunpack.c.l.s4.s8 v3;
	v4 =	vunpack.c.l.s4.s8 v4  }
0x6: {  	[smem:$0x7FF] =	sst s2;
	s5 =	sand.u32 $0x1, s5;
	s6 =	sshll.u32 s1, $0x1;
	v5 =	vunpack.c.l.s4.s8 v5;
	v6 =	vunpack.c.l.s4.s8 v6;
	v0 =	vunpack.c.0.s8.s32 v0  }
0x7: {  	_ =	strace $0x80000047;
	s6 =	sor.u32 s5, s6;
	s5 =	ssub.s32 $0x2, s5;
	v1 =	vunpack.c.0.s8.s32 v1;
	v2 =	vunpack.c.0.s8.s32 v2;
	v3 =	vunpack.c.0.s8.s32 v3  }
0x8: {  	v7 =	vunpack.c.l.s4.s8 v7;
	s7 =	sshll.u32 s6, $0x5;
	s8 =	sshll.u32 s6, $0x1;
	s9 =	sshrl.u32 s5, $0x1;
	v4 =	vunpack.c.0.s8.s32 v4;
	v5 =	vunpack.c.0.s8.s32 v5  }
0x9: {  	s31 =	sshll.u32 s6, $0x8;
	s7 =	sadd.s32 s7, s3;
	s10 =	sadd.s32 s8, s3;
	v1 =	vcombine.low v1, v0;
	v2 =	vcombine.low v3, v2;
	v3 =	vunpack.c.0.s8.s32 v6  }
0xa: {  	s9 =	ssub.s32 s5, s9;
	s4 =	sadd.s32 s4, s8;
	s8 =	simm.s32 $0x100;
	v4 =	vcombine.low v5, v4;
	v0 =	vlaneseq.u32;
	v5 =	vunpack.c.0.s8.s32 v7  }
0xb: {  	s3 =	sadd.s32 $0x2000, s7;
	s5 =	sadd.s32 $0x2400, s10;
	s6 =	smax.u32 s9, $0x1;
	v0 =	vor.u32 s31, v0;
	v1 =	vand.u32 $0xF, v1;
	v6 =	vand.u32 $0xF, v3  }
0xc: {  	s7 =	simm.s32 $0x1;
	s9 =	simm.s32 $0x110;
	s10 =	simm.s32 $0x0;
	v2 =	vand.u32 $0xF, v2;
	v3 =	vand.u32 $0xF, v4;
	v4 =	vcombine.low v6, v5  }
.LBB2_1:
0xd: {  	[tilespmem:s2], [sflag:$0x1] =	stream.linear.gather [hbm4b:s3+s2], $0x100, $0x38;
	[tilespmem:$0x120] =	vst v63  }
0xe: {  	_ =	swait.ge [sflag:s7], $0x100  }
0xf: {  	[sflag:s7] =	ssyncset.done $0x0  }
0x10: {  	[sflag:s7] =	ssyncadd.s32 $0xFFFFFF00  }
0x11: {  	v5 =	vld [tilespmem:s2+$0x0];
	_ =	sdelay $0x3  }
0x12: {  	v6 =	vimm.f32 $-3.000000010e+38  }
0x13: {  	v7 =	vimm.s32 $0x0;
	s11 =	simm.s32 $0x1;
	s12 =	simm.s32 $0x10;
	s13 =	simm.s32 $0x0;
	vm0 =	vgt.f32 v5, v6  }
.LBB2_2:
0x14: {  	p0 =	sne.s32 s11, $0xF;
	v6 =	vsel vm0, v5, v6;
	v5 =	vld [tilespmem:s12+$0x0];
	v7 =	vsel vm0, s13, v7;
	s13 =	smov.u32 s11;
	s11 =	sadd.s32 $0x1, s11  }
.Ltmp0:
0x15: {  	(pc) =	sbr.rel @p0 .LBB2_2-.Ltmp0, $2  }
0x16: {  	_ =	sdelay $0x2  }
0x17: {  	s12 =	sadd.s32 $0x10, s12;
	vm0 =	vgt.f32 v5, v6  }
0x18: {  	v7 =	vsel vm0, s13, v7  }
0x19: {  	v7 =	vshll.u32 v7, $0x4  }
0x1a: {  	v5 =	vsel vm0, v5, v6;
	v6 =	vadd.s32 v0, v7  }
0x1b: {  	v7 =	vperm.xlane v5, v1;
	v8 =	vperm.xlane v6, v1;
	_ =	sdelay $0x1  }
0x1c: {  	vm0 =	veq.f32 v7, v5;
	vm1 =	vlt.s32 v8, v6  }
0x1d: {  	vm2 =	vgt.f32 v7, v5;
	vm0 =	vmand vm0, vm1  }
0x1e: {  	vm0 =	vmor vm2, vm0  }
0x1f: {  	v5 =	vsel vm0, v7, v5;
	v6 =	vsel vm0, v8, v6  }
0x20: {  	v7 =	vperm.xlane v5, v2;
	v8 =	vperm.xlane v6, v2;
	_ =	sdelay $0x1  }
0x21: {  	vm7 =	veq.f32 v7, v5;
	vm8 =	vlt.s32 v8, v6  }
0x22: {  	vm9 =	vgt.f32 v7, v5;
	vm0 =	vmand vm7, vm8  }
0x23: {  	vm0 =	vmor vm9, vm0  }
0x24: {  	v5 =	vsel vm0, v7, v5;
	v6 =	vsel vm0, v8, v6  }
0x25: {  	v7 =	vperm.xlane v5, v3;
	v8 =	vperm.xlane v6, v3;
	_ =	sdelay $0x1  }
0x26: {  	vm10 =	veq.f32 v7, v5;
	vm11 =	vlt.s32 v8, v6  }
0x27: {  	vm12 =	vgt.f32 v7, v5;
	vm0 =	vmand vm10, vm11  }
0x28: {  	vm0 =	vmor vm12, vm0  }
0x29: {  	v5 =	vsel vm0, v7, v5;
	v6 =	vsel vm0, v8, v6  }
0x2a: {  	v7 =	vperm.xlane v5, v4;
	v8 =	vperm.xlane v6, v4;
	_ =	sdelay $0x1  }
0x2b: {  	vm13 =	veq.f32 v7, v5;
	vm14 =	vlt.s32 v8, v6  }
0x2c: {  	vm15 =	vgt.f32 v7, v5;
	vm0 =	vmand vm13, vm14  }
0x2d: {  	vm0 =	vmor vm15, vm0  }
0x2e: {  	v5 =	vsel vm0, v7, v5  }
0x2f: {  	v6 =	vsel vm0, v8, v6;
	[tilespmem:$0x100] =	vst v5  }
0x30: {  	[tilespmem:$0x110] =	vst v6  }
0x31: {  	[hbm4b:s4+s2] =	stream.linear.scatter [tilespmem:s8], [sflag:$0x1], $0x10, $0x38;
	[tilespmem:$0x120] =	vst v63  }
0x32: {  	s10 =	sadd.s32 $0x1, s10;
	_ =	swait.ge [sflag:s7], $0x10  }
0x33: {  	p0 =	sne.s32 s10, s6;
	[sflag:s7] =	ssyncset.done $0x0  }
.Ltmp1:
0x34: {  	[sflag:s7] =	ssyncadd.s32 $0xFFFFFFF0;
	(pc) =	sbr.rel @p0 .LBB2_1-.Ltmp1, $4  }
0x35: {  	[hbm4b:s5+s2] =	stream.linear.scatter [tilespmem:s9], [sflag:$0x1], $0x10, $0x38;
	[tilespmem:$0x120] =	vst v63  }
0x36: {  	_ =	swait.ge [sflag:s7], $0x10  }
0x37: {  	[sflag:s7] =	ssyncset.done $0x0  }
0x38: {  	[sflag:s7] =	ssyncadd.s32 $0xFFFFFFF0  }
0x39: {  	_ =	sfence.sel $0x180000  }
0x3a: {  	[bflag:$0x0] =	sbarrier.arrive $0xFFFF  }
0x3b: {  	p0 =	sne.s32 s1, $0x0;
	_ =	strace $0x90000047  }
0x3c: {  	s0 =	sadd.s32 @!p0 $0x100000, s0;
	[bflag:$0x2] =	sbarrier.arrive $0xFFFF  }
0x3d: {  	[sflag:s0] =	ssyncadd.tile.s32 @!p0 $0x1;
	_ =	shalt  }
.Lfunc_end2:
_tile_overlayer_lowered:
.L_overlay_start_2:
0x3e: {  	(tag) =	ssettag $0x2  }
0x3f: {  	s0 =	rddreg [dreg:$0x0];
	s2 =	stileid.u32  }
0x40: {  	s1 =	rddreg [dreg:$0x1];
	p0 =	sne.s32 s2, $0x0  }
0x41: {  	s3 =	rddreg [dreg:$0x2];
	[bflag:$0x3] =	sbarrier.arrive $0xFFFF;
	s2 =	simm.s32 @!p0 $0x1C01  }
0x42: {  	[timem:s3], [sflag:s2] =	dma.local @!p0 [hbm:s0], s1  }
0x43: {  	s0 =	simm.s32 @!p0 $0x1  }
0x44: {  	_ =	swait.ge @!p0 [sflag:s0], s1  }
0x45: {  	s1 =	ssub.s32 @!p0 $0x0, s1;
	[sflag:s0] =	ssyncset.done @!p0 $0x0  }
0x46: {  	[sflag:s0] =	ssyncadd.s32 @!p0 s1  }
0x47: {  	[bflag:$0x3] =	sbarrier.arrive $0xFFFF  }
0x48: {  	_ =	shalt  }

</sc_bundles>
